<compile_context>
chip_gen: v7x
topology: tpu7x:2x2x1
jax: 0.10.2.dev20260603
libtpu: 0.0.44.dev20260713+nightly
codegen_flags: <defaults>
</compile_context>

<pallas_src>
import functools

import jax
import jax.numpy as jnp
from jax import lax
from jax.experimental import pallas as pl
from jax.experimental.pallas import tpu as pltpu
from jax.experimental.pallas import tpu_sc as plsc

_B, _H, _W, _C = 32, 16, 16, 64
_N = _H * _W
_R = _B * _N
_E = _N * (_N - 1)
_VREGS = _E // 16
_UNROLL = 16


def _template_kernel(tmpl_ref):
    k = jax.lax.broadcasted_iota(jnp.int32, (1, _E), 1)
    i = jnp.right_shift(k + jnp.right_shift(k, 8) + 1, 8)
    j = k - ((i << 8) - i)
    tmpl_ref[0:1] = i
    tmpl_ref[1:2] = j + (j >= i).astype(jnp.int32)


def _nodes_kernel(x_ref, nodes_ref, batch_ref):
    b = pl.program_id(0)
    rows = jax.lax.broadcasted_iota(jnp.int32, (_N, 1), 0)
    hr = jnp.right_shift(rows, 4).astype(jnp.float32) * (1.0 / (_H - 1))
    wc = jnp.bitwise_and(rows, _W - 1).astype(jnp.float32) * (1.0 / (_W - 1))
    nodes_ref[...] = jnp.concatenate([x_ref[...], hr, wc], axis=1)
    batch_ref[...] = jnp.full((_N, 1), b, dtype=jnp.int32)


def _sc_edges_kernel(tmpl_hbm, out_hbm, buf):
    b = lax.axis_index("c") * 16 + lax.axis_index("s")
    offv = lax.broadcast(b * _N, (16,))

    def body(it, carry):
        base = it * (16 * _UNROLL)
        for v in range(_UNROLL):
            sl = pl.ds(base + v * 16, 16)
            buf[sl] = buf[sl] + offv
        return carry

    for r in range(2):
        pltpu.sync_copy(tmpl_hbm.at[pl.ds(r * _E, _E)], buf)
        lax.fori_loop(0, _VREGS // _UNROLL, body, 0)
        pltpu.sync_copy(buf, out_hbm.at[pl.ds((r * _B + b) * _E, _E)])


def kernel(x, y):
    x2d = x.reshape(_R, _C)
    tmpl = pl.pallas_call(
        _template_kernel,
        out_shape=jax.ShapeDtypeStruct((2, _E), jnp.int32),
    )()

    sc_edges = functools.partial(
        pl.kernel,
        mesh=plsc.VectorSubcoreMesh(core_axis_name="c", subcore_axis_name="s"),
        out_type=jax.ShapeDtypeStruct((2 * _B * _E,), jnp.int32),
        scratch_types=[pltpu.VMEM((_E,), jnp.int32)],
    )(_sc_edges_kernel)
    edge_index = sc_edges(tmpl.reshape(2 * _E)).reshape(2, _B * _E)

    nodes, batch2 = pl.pallas_call(
        _nodes_kernel,
        grid=(_B,),
        in_specs=[pl.BlockSpec((_N, _C), lambda b: (b, 0))],
        out_specs=[
            pl.BlockSpec((_N, _C + 2), lambda b: (b, 0)),
            pl.BlockSpec((_N, 1), lambda b: (b, 0)),
        ],
        out_shape=[
            jax.ShapeDtypeStruct((_R, _C + 2), jnp.float32),
            jax.ShapeDtypeStruct((_R, 1), jnp.int32),
        ],
    )(x2d)
    batch_vec = batch2.reshape(_R)
    y_out = y.reshape(_B, -1)
    return nodes, edge_index, batch_vec, y_out

# --- scband reference (transcript-rebuilt; emitter-appended) ---
"""Pipeline reference for scband-image2-graph-72086731096477 (READ-ONLY COPY).

The authoritative reference and input builder live on the scoring server;
editing this copy changes nothing except your own understanding.
"""

import jax, jax.numpy as jnp
import numpy as np


def setup_inputs(seed: int = 0) -> dict:
    key = jax.random.key(seed)
    k1, k2 = jax.random.split(key)
    x = jax.random.normal(k1, (32, 16, 16, 64), dtype=jnp.float32)
    y = jax.random.randint(k2, (32, 1), 0, 10, dtype=jnp.int32)
    return {"x": x, "y": y}


def _append_position(x):
    B, H, W, C = x.shape
    rr = jnp.linspace(0.0, 1.0, H, dtype=x.dtype)
    cc = jnp.linspace(0.0, 1.0, W, dtype=x.dtype)
    gr, gc = jnp.meshgrid(rr, cc, indexing='ij')
    pos = jnp.stack([gr, gc], axis=-1)            # [H, W, 2]
    pos = jnp.broadcast_to(pos[None], (B, H, W, 2))
    return jnp.concatenate([x, pos], axis=-1)     # [B, H, W, C+2]


def _fully_connected_edges(N):
    # fully-connected graph without self loops: [2, N*(N-1)]
    src = np.repeat(np.arange(N, dtype=np.int32), N)
    dst = np.tile(np.arange(N, dtype=np.int32), N)
    keep = src != dst
    return jnp.asarray(np.stack([src[keep], dst[keep]], axis=0), dtype=jnp.int32)


def reference(x, y):
    # append_position(data.x)
    xp = _append_position(x)
    B, H, W, F = xp.shape
    N = H * W
    # per-image: img.reshape([-1, img.size(-1)]) -> nodes; Batch concatenates
    nodes = xp.reshape(B * N, F)                  # batched node features
    e = _fully_connected_edges(N)                 # [2, E] shared template
    offs = (jnp.arange(B, dtype=jnp.int32) * N)
    # Batch.from_data_list offsets each graph's edge indices by its node offset
    edge_index = (e[None, :, :] + offs[:, None, None]).transpose(1, 0, 2).reshape(2, -1)
    batch_vec = jnp.repeat(jnp.arange(B, dtype=jnp.int32), N)
    # y.reshape([1, -1]) per graph, concatenated over the batch
    y_out = y.reshape(B, -1)
    return nodes, edge_index, batch_vec, y_out

if __name__ == "__main__":
    import jax
    _d = setup_inputs()
    print(jax.jit(kernel)(*tuple(_d.values())))

</pallas_src>

<mosaic_0001>
#map = affine_map<(d0, d1) -> (0)>
module attributes {stable_mosaic.version = 14 : i64} {
  func.func @_sc_edges_kernel(%arg0: i32, %arg1: i32, %arg2: memref<130560xi32, #tpu.memory_space<hbm>>, %arg3: memref<4177920xi32, #tpu.memory_space<hbm>>, %arg4: memref<65280xi32, #tpu.memory_space<vmem>>) attributes {dimension_semantics = [#tpu.dimension_semantics<core_parallel>, #tpu.dimension_semantics<subcore_parallel>], iteration_bounds = array<i64: 2, 16>, scalar_prefetch = 0 : i64, scratch_operands = 1 : i64, tpu.core_type = #tpu.core_type<sc_vector_subcore>, window_params = [{transform_indices = #map}, {transform_indices = #map}]} {
    %mul3A = arith.constant 16 : i32
    %mul3A_0 = arith.muli %arg0, %mul3A : i32
    %add3A = arith.addi %mul3A_0, %arg1 : i32
    %mul3A_1 = arith.constant 256 : i32
    %mul3A_2 = arith.muli %add3A, %mul3A_1 : i32
    %broadcast_in_dim3A = vector.broadcast %mul3A_2 : i32 to vector<16xi32>
    "tpu.region"() ({
      %run_scoped3A = tpu.sem_alloc : memref<!tpu.dma_semaphore, #tpu.memory_space<semaphore_mem>>
      %dma_start3A = arith.constant 0 : i32
      %dma_start3A_22 = tpu.memref_slice %arg2[%dma_start3A] : memref<130560xi32, #tpu.memory_space<hbm>> -> memref<65280xi32, #tpu.memory_space<hbm>>
      %dma_start3A_23 = arith.constant 0 : i32
      %dma_start3A_24 = tpu.memref_slice %arg2[%dma_start3A_23] : memref<130560xi32, #tpu.memory_space<hbm>> -> memref<65280xi32, #tpu.memory_space<hbm>>
      tpu.enqueue_dma source(%dma_start3A_24 : memref<65280xi32, #tpu.memory_space<hbm>>) target(%arg4 : memref<65280xi32, #tpu.memory_space<vmem>>) target_semaphore(%run_scoped3A : memref<!tpu.dma_semaphore, #tpu.memory_space<semaphore_mem>>)
      %dma_wait3A = arith.constant 0 : i32
      %dma_wait3A_25 = tpu.memref_slice %arg2[%dma_wait3A] : memref<130560xi32, #tpu.memory_space<hbm>> -> memref<65280xi32, #tpu.memory_space<hbm>>
      %dma_wait3A_26 = arith.constant 0 : i32
      %dma_wait3A_27 = tpu.memref_slice %arg2[%dma_wait3A_26] : memref<130560xi32, #tpu.memory_space<hbm>> -> memref<65280xi32, #tpu.memory_space<hbm>>
      tpu.wait_dma2 semaphore(%run_scoped3A : memref<!tpu.dma_semaphore, #tpu.memory_space<semaphore_mem>>) src(%dma_wait3A_27 : memref<65280xi32, #tpu.memory_space<hbm>>) dst(%arg4 : memref<65280xi32, #tpu.memory_space<vmem>>)
      tpu.yield
    }) : () -> ()
    %scan3A = arith.constant 0 : i32
    %scan3A_3 = arith.constant 0 : i32
    %scan3A_4 = arith.constant 255 : i32
    %scan3A_5 = arith.addi %scan3A_3, %scan3A_4 : i32
    %scan3A_6 = arith.constant 1 : i32
    scf.for %scan3A_22 = %scan3A_3 to %scan3A_5 step %scan3A_6  : i32 {
      %mul3A_23 = arith.constant 256 : i32
      %mul3A_24 = arith.muli %scan3A_22, %mul3A_23 : i32
      %add3A_25 = arith.constant 0 : i32
      %add3A_26 = arith.addi %mul3A_24, %add3A_25 : i32
      %get3A = arith.index_cast %add3A_26 : i32 to index
      %get3A_27 = tpu.vector_load %arg4[%get3A] {strides = array<i32>} : memref<65280xi32, #tpu.memory_space<vmem>>, vector<16xi32>,
      %get3A_28 = vector.shape_cast %get3A_27 : vector<16xi32> to vector<16xi32>
      %add3A_29 = arith.addi %get3A_28, %broadcast_in_dim3A : vector<16xi32>
      %swap3A = arith.index_cast %add3A_26 : i32 to index
      %swap3A_30 = tpu.vector_load %arg4[%swap3A] {strides = array<i32>} : memref<65280xi32, #tpu.memory_space<vmem>>, vector<16xi32>,
      %swap3A_31 = vector.shape_cast %swap3A_30 : vector<16xi32> to vector<16xi32>
      %swap3A_32 = vector.shape_cast %add3A_29 : vector<16xi32> to vector<16xi32>
      tpu.vector_store %arg4[%swap3A], %swap3A_32 {strides = array<i32>} : memref<65280xi32, #tpu.memory_space<vmem>>, vector<16xi32>,
      %add3A_33 = arith.constant 16 : i32
      %add3A_34 = arith.addi %mul3A_24, %add3A_33 : i32
      %get3A_35 = arith.index_cast %add3A_34 : i32 to index
      %get3A_36 = tpu.vector_load %arg4[%get3A_35] {strides = array<i32>} : memref<65280xi32, #tpu.memory_space<vmem>>, vector<16xi32>,
      %get3A_37 = vector.shape_cast %get3A_36 : vector<16xi32> to vector<16xi32>
      %add3A_38 = arith.addi %get3A_37, %broadcast_in_dim3A : vector<16xi32>
      %swap3A_39 = arith.index_cast %add3A_34 : i32 to index
      %swap3A_40 = tpu.vector_load %arg4[%swap3A_39] {strides = array<i32>} : memref<65280xi32, #tpu.memory_space<vmem>>, vector<16xi32>,
      %swap3A_41 = vector.shape_cast %swap3A_40 : vector<16xi32> to vector<16xi32>
      %swap3A_42 = vector.shape_cast %add3A_38 : vector<16xi32> to vector<16xi32>
      tpu.vector_store %arg4[%swap3A_39], %swap3A_42 {strides = array<i32>} : memref<65280xi32, #tpu.memory_space<vmem>>, vector<16xi32>,
      %add3A_43 = arith.constant 32 : i32
      %add3A_44 = arith.addi %mul3A_24, %add3A_43 : i32
      %get3A_45 = arith.index_cast %add3A_44 : i32 to index
      %get3A_46 = tpu.vector_load %arg4[%get3A_45] {strides = array<i32>} : memref<65280xi32, #tpu.memory_space<vmem>>, vector<16xi32>,
      %get3A_47 = vector.shape_cast %get3A_46 : vector<16xi32> to vector<16xi32>
      %add3A_48 = arith.addi %get3A_47, %broadcast_in_dim3A : vector<16xi32>
      %swap3A_49 = arith.index_cast %add3A_44 : i32 to index
      %swap3A_50 = tpu.vector_load %arg4[%swap3A_49] {strides = array<i32>} : memref<65280xi32, #tpu.memory_space<vmem>>, vector<16xi32>,
      %swap3A_51 = vector.shape_cast %swap3A_50 : vector<16xi32> to vector<16xi32>
      %swap3A_52 = vector.shape_cast %add3A_48 : vector<16xi32> to vector<16xi32>
      tpu.vector_store %arg4[%swap3A_49], %swap3A_52 {strides = array<i32>} : memref<65280xi32, #tpu.memory_space<vmem>>, vector<16xi32>,
      %add3A_53 = arith.constant 48 : i32
      %add3A_54 = arith.addi %mul3A_24, %add3A_53 : i32
      %get3A_55 = arith.index_cast %add3A_54 : i32 to index
      %get3A_56 = tpu.vector_load %arg4[%get3A_55] {strides = array<i32>} : memref<65280xi32, #tpu.memory_space<vmem>>, vector<16xi32>,
      %get3A_57 = vector.shape_cast %get3A_56 : vector<16xi32> to vector<16xi32>
      %add3A_58 = arith.addi %get3A_57, %broadcast_in_dim3A : vector<16xi32>
      %swap3A_59 = arith.index_cast %add3A_54 : i32 to index
      %swap3A_60 = tpu.vector_load %arg4[%swap3A_59] {strides = array<i32>} : memref<65280xi32, #tpu.memory_space<vmem>>, vector<16xi32>,
      %swap3A_61 = vector.shape_cast %swap3A_60 : vector<16xi32> to vector<16xi32>
      %swap3A_62 = vector.shape_cast %add3A_58 : vector<16xi32> to vector<16xi32>
      tpu.vector_store %arg4[%swap3A_59], %swap3A_62 {strides = array<i32>} : memref<65280xi32, #tpu.memory_space<vmem>>, vector<16xi32>,
      %add3A_63 = arith.constant 64 : i32
      %add3A_64 = arith.addi %mul3A_24, %add3A_63 : i32
      %get3A_65 = arith.index_cast %add3A_64 : i32 to index
      %get3A_66 = tpu.vector_load %arg4[%get3A_65] {strides = array<i32>} : memref<65280xi32, #tpu.memory_space<vmem>>, vector<16xi32>,
      %get3A_67 = vector.shape_cast %get3A_66 : vector<16xi32> to vector<16xi32>
      %add3A_68 = arith.addi %get3A_67, %broadcast_in_dim3A : vector<16xi32>
      %swap3A_69 = arith.index_cast %add3A_64 : i32 to index
      %swap3A_70 = tpu.vector_load %arg4[%swap3A_69] {strides = array<i32>} : memref<65280xi32, #tpu.memory_space<vmem>>, vector<16xi32>,
      %swap3A_71 = vector.shape_cast %swap3A_70 : vector<16xi32> to vector<16xi32>
      %swap3A_72 = vector.shape_cast %add3A_68 : vector<16xi32> to vector<16xi32>
      tpu.vector_store %arg4[%swap3A_69], %swap3A_72 {strides = array<i32>} : memref<65280xi32, #tpu.memory_space<vmem>>, vector<16xi32>,
      %add3A_73 = arith.constant 80 : i32
      %add3A_74 = arith.addi %mul3A_24, %add3A_73 : i32
      %get3A_75 = arith.index_cast %add3A_74 : i32 to index
      %get3A_76 = tpu.vector_load %arg4[%get3A_75] {strides = array<i32>} : memref<65280xi32, #tpu.memory_space<vmem>>, vector<16xi32>,
      %get3A_77 = vector.shape_cast %get3A_76 : vector<16xi32> to vector<16xi32>
      %add3A_78 = arith.addi %get3A_77, %broadcast_in_dim3A : vector<16xi32>
      %swap3A_79 = arith.index_cast %add3A_74 : i32 to index
      %swap3A_80 = tpu.vector_load %arg4[%swap3A_79] {strides = array<i32>} : memref<65280xi32, #tpu.memory_space<vmem>>, vector<16xi32>,
      %swap3A_81 = vector.shape_cast %swap3A_80 : vector<16xi32> to vector<16xi32>
      %swap3A_82 = vector.shape_cast %add3A_78 : vector<16xi32> to vector<16xi32>
      tpu.vector_store %arg4[%swap3A_79], %swap3A_82 {strides = array<i32>} : memref<65280xi32, #tpu.memory_space<vmem>>, vector<16xi32>,
      %add3A_83 = arith.constant 96 : i32
      %add3A_84 = arith.addi %mul3A_24, %add3A_83 : i32
      %get3A_85 = arith.index_cast %add3A_84 : i32 to index
      %get3A_86 = tpu.vector_load %arg4[%get3A_85] {strides = array<i32>} : memref<65280xi32, #tpu.memory_space<vmem>>, vector<16xi32>,
      %get3A_87 = vector.shape_cast %get3A_86 : vector<16xi32> to vector<16xi32>
      %add3A_88 = arith.addi %get3A_87, %broadcast_in_dim3A : vector<16xi32>
      %swap3A_89 = arith.index_cast %add3A_84 : i32 to index
      %swap3A_90 = tpu.vector_load %arg4[%swap3A_89] {strides = array<i32>} : memref<65280xi32, #tpu.memory_space<vmem>>, vector<16xi32>,
      %swap3A_91 = vector.shape_cast %swap3A_90 : vector<16xi32> to vector<16xi32>
      %swap3A_92 = vector.shape_cast %add3A_88 : vector<16xi32> to vector<16xi32>
      tpu.vector_store %arg4[%swap3A_89], %swap3A_92 {strides = array<i32>} : memref<65280xi32, #tpu.memory_space<vmem>>, vector<16xi32>,
      %add3A_93 = arith.constant 112 : i32
      %add3A_94 = arith.addi %mul3A_24, %add3A_93 : i32
      %get3A_95 = arith.index_cast %add3A_94 : i32 to index
      %get3A_96 = tpu.vector_load %arg4[%get3A_95] {strides = array<i32>} : memref<65280xi32, #tpu.memory_space<vmem>>, vector<16xi32>,
      %get3A_97 = vector.shape_cast %get3A_96 : vector<16xi32> to vector<16xi32>
      %add3A_98 = arith.addi %get3A_97, %broadcast_in_dim3A : vector<16xi32>
      %swap3A_99 = arith.index_cast %add3A_94 : i32 to index
      %swap3A_100 = tpu.vector_load %arg4[%swap3A_99] {strides = array<i32>} : memref<65280xi32, #tpu.memory_space<vmem>>, vector<16xi32>,
      %swap3A_101 = vector.shape_cast %swap3A_100 : vector<16xi32> to vector<16xi32>
      %swap3A_102 = vector.shape_cast %add3A_98 : vector<16xi32> to vector<16xi32>
      tpu.vector_store %arg4[%swap3A_99], %swap3A_102 {strides = array<i32>} : memref<65280xi32, #tpu.memory_space<vmem>>, vector<16xi32>,
      %add3A_103 = arith.constant 128 : i32
      %add3A_104 = arith.addi %mul3A_24, %add3A_103 : i32
      %get3A_105 = arith.index_cast %add3A_104 : i32 to index
      %get3A_106 = tpu.vector_load %arg4[%get3A_105] {strides = array<i32>} : memref<65280xi32, #tpu.memory_space<vmem>>, vector<16xi32>,
      %get3A_107 = vector.shape_cast %get3A_106 : vector<16xi32> to vector<16xi32>
      %add3A_108 = arith.addi %get3A_107, %broadcast_in_dim3A : vector<16xi32>
      %swap3A_109 = arith.index_cast %add3A_104 : i32 to index
      %swap3A_110 = tpu.vector_load %arg4[%swap3A_109] {strides = array<i32>} : memref<65280xi32, #tpu.memory_space<vmem>>, vector<16xi32>,
      %swap3A_111 = vector.shape_cast %swap3A_110 : vector<16xi32> to vector<16xi32>
      %swap3A_112 = vector.shape_cast %add3A_108 : vector<16xi32> to vector<16xi32>
      tpu.vector_store %arg4[%swap3A_109], %swap3A_112 {strides = array<i32>} : memref<65280xi32, #tpu.memory_space<vmem>>, vector<16xi32>,
      %add3A_113 = arith.constant 144 : i32
      %add3A_114 = arith.addi %mul3A_24, %add3A_113 : i32
      %get3A_115 = arith.index_cast %add3A_114 : i32 to index
      %get3A_116 = tpu.vector_load %arg4[%get3A_115] {strides = array<i32>} : memref<65280xi32, #tpu.memory_space<vmem>>, vector<16xi32>,
      %get3A_117 = vector.shape_cast %get3A_116 : vector<16xi32> to vector<16xi32>
      %add3A_118 = arith.addi %get3A_117, %broadcast_in_dim3A : vector<16xi32>
      %swap3A_119 = arith.index_cast %add3A_114 : i32 to index
      %swap3A_120 = tpu.vector_load %arg4[%swap3A_119] {strides = array<i32>} : memref<65280xi32, #tpu.memory_space<vmem>>, vector<16xi32>,
      %swap3A_121 = vector.shape_cast %swap3A_120 : vector<16xi32> to vector<16xi32>
      %swap3A_122 = vector.shape_cast %add3A_118 : vector<16xi32> to vector<16xi32>
      tpu.vector_store %arg4[%swap3A_119], %swap3A_122 {strides = array<i32>} : memref<65280xi32, #tpu.memory_space<vmem>>, vector<16xi32>,
      %add3A_123 = arith.constant 160 : i32
      %add3A_124 = arith.addi %mul3A_24, %add3A_123 : i32
      %get3A_125 = arith.index_cast %add3A_124 : i32 to index
      %get3A_126 = tpu.vector_load %arg4[%get3A_125] {strides = array<i32>} : memref<65280xi32, #tpu.memory_space<vmem>>, vector<16xi32>,
      %get3A_127 = vector.shape_cast %get3A_126 : vector<16xi32> to vector<16xi32>
      %add3A_128 = arith.addi %get3A_127, %broadcast_in_dim3A : vector<16xi32>
      %swap3A_129 = arith.index_cast %add3A_124 : i32 to index
      %swap3A_130 = tpu.vector_load %arg4[%swap3A_129] {strides = array<i32>} : memref<65280xi32, #tpu.memory_space<vmem>>, vector<16xi32>,
      %swap3A_131 = vector.shape_cast %swap3A_130 : vector<16xi32> to vector<16xi32>
      %swap3A_132 = vector.shape_cast %add3A_128 : vector<16xi32> to vector<16xi32>
      tpu.vector_store %arg4[%swap3A_129], %swap3A_132 {strides = array<i32>} : memref<65280xi32, #tpu.memory_space<vmem>>, vector<16xi32>,
      %add3A_133 = arith.constant 176 : i32
      %add3A_134 = arith.addi %mul3A_24, %add3A_133 : i32
      %get3A_135 = arith.index_cast %add3A_134 : i32 to index
      %get3A_136 = tpu.vector_load %arg4[%get3A_135] {strides = array<i32>} : memref<65280xi32, #tpu.memory_space<vmem>>, vector<16xi32>,
      %get3A_137 = vector.shape_cast %get3A_136 : vector<16xi32> to vector<16xi32>
      %add3A_138 = arith.addi %get3A_137, %broadcast_in_dim3A : vector<16xi32>
      %swap3A_139 = arith.index_cast %add3A_134 : i32 to index
      %swap3A_140 = tpu.vector_load %arg4[%swap3A_139] {strides = array<i32>} : memref<65280xi32, #tpu.memory_space<vmem>>, vector<16xi32>,
      %swap3A_141 = vector.shape_cast %swap3A_140 : vector<16xi32> to vector<16xi32>
      %swap3A_142 = vector.shape_cast %add3A_138 : vector<16xi32> to vector<16xi32>
      tpu.vector_store %arg4[%swap3A_139], %swap3A_142 {strides = array<i32>} : memref<65280xi32, #tpu.memory_space<vmem>>, vector<16xi32>,
      %add3A_143 = arith.constant 192 : i32
      %add3A_144 = arith.addi %mul3A_24, %add3A_143 : i32
      %get3A_145 = arith.index_cast %add3A_144 : i32 to index
      %get3A_146 = tpu.vector_load %arg4[%get3A_145] {strides = array<i32>} : memref<65280xi32, #tpu.memory_space<vmem>>, vector<16xi32>,
      %get3A_147 = vector.shape_cast %get3A_146 : vector<16xi32> to vector<16xi32>
      %add3A_148 = arith.addi %get3A_147, %broadcast_in_dim3A : vector<16xi32>
      %swap3A_149 = arith.index_cast %add3A_144 : i32 to index
      %swap3A_150 = tpu.vector_load %arg4[%swap3A_149] {strides = array<i32>} : memref<65280xi32, #tpu.memory_space<vmem>>, vector<16xi32>,
      %swap3A_151 = vector.shape_cast %swap3A_150 : vector<16xi32> to vector<16xi32>
      %swap3A_152 = vector.shape_cast %add3A_148 : vector<16xi32> to vector<16xi32>
      tpu.vector_store %arg4[%swap3A_149], %swap3A_152 {strides = array<i32>} : memref<65280xi32, #tpu.memory_space<vmem>>, vector<16xi32>,
      %add3A_153 = arith.constant 208 : i32
      %add3A_154 = arith.addi %mul3A_24, %add3A_153 : i32
      %get3A_155 = arith.index_cast %add3A_154 : i32 to index
      %get3A_156 = tpu.vector_load %arg4[%get3A_155] {strides = array<i32>} : memref<65280xi32, #tpu.memory_space<vmem>>, vector<16xi32>,
      %get3A_157 = vector.shape_cast %get3A_156 : vector<16xi32> to vector<16xi32>
      %add3A_158 = arith.addi %get3A_157, %broadcast_in_dim3A : vector<16xi32>
      %swap3A_159 = arith.index_cast %add3A_154 : i32 to index
      %swap3A_160 = tpu.vector_load %arg4[%swap3A_159] {strides = array<i32>} : memref<65280xi32, #tpu.memory_space<vmem>>, vector<16xi32>,
      %swap3A_161 = vector.shape_cast %swap3A_160 : vector<16xi32> to vector<16xi32>
      %swap3A_162 = vector.shape_cast %add3A_158 : vector<16xi32> to vector<16xi32>
      tpu.vector_store %arg4[%swap3A_159], %swap3A_162 {strides = array<i32>} : memref<65280xi32, #tpu.memory_space<vmem>>, vector<16xi32>,
      %add3A_163 = arith.constant 224 : i32
      %add3A_164 = arith.addi %mul3A_24, %add3A_163 : i32
      %get3A_165 = arith.index_cast %add3A_164 : i32 to index
      %get3A_166 = tpu.vector_load %arg4[%get3A_165] {strides = array<i32>} : memref<65280xi32, #tpu.memory_space<vmem>>, vector<16xi32>,
      %get3A_167 = vector.shape_cast %get3A_166 : vector<16xi32> to vector<16xi32>
      %add3A_168 = arith.addi %get3A_167, %broadcast_in_dim3A : vector<16xi32>
      %swap3A_169 = arith.index_cast %add3A_164 : i32 to index
      %swap3A_170 = tpu.vector_load %arg4[%swap3A_169] {strides = array<i32>} : memref<65280xi32, #tpu.memory_space<vmem>>, vector<16xi32>,
      %swap3A_171 = vector.shape_cast %swap3A_170 : vector<16xi32> to vector<16xi32>
      %swap3A_172 = vector.shape_cast %add3A_168 : vector<16xi32> to vector<16xi32>
      tpu.vector_store %arg4[%swap3A_169], %swap3A_172 {strides = array<i32>} : memref<65280xi32, #tpu.memory_space<vmem>>, vector<16xi32>,
      %add3A_173 = arith.constant 240 : i32
      %add3A_174 = arith.addi %mul3A_24, %add3A_173 : i32
      %get3A_175 = arith.index_cast %add3A_174 : i32 to index
      %get3A_176 = tpu.vector_load %arg4[%get3A_175] {strides = array<i32>} : memref<65280xi32, #tpu.memory_space<vmem>>, vector<16xi32>,
      %get3A_177 = vector.shape_cast %get3A_176 : vector<16xi32> to vector<16xi32>
      %add3A_178 = arith.addi %get3A_177, %broadcast_in_dim3A : vector<16xi32>
      %swap3A_179 = arith.index_cast %add3A_174 : i32 to index
      %swap3A_180 = tpu.vector_load %arg4[%swap3A_179] {strides = array<i32>} : memref<65280xi32, #tpu.memory_space<vmem>>, vector<16xi32>,
      %swap3A_181 = vector.shape_cast %swap3A_180 : vector<16xi32> to vector<16xi32>
      %swap3A_182 = vector.shape_cast %add3A_178 : vector<16xi32> to vector<16xi32>
      tpu.vector_store %arg4[%swap3A_179], %swap3A_182 {strides = array<i32>} : memref<65280xi32, #tpu.memory_space<vmem>>, vector<16xi32>,
    }
    %scan3A_7 = arith.constant 255 : i32
    %add3A_8 = arith.constant 0 : i32
    %add3A_9 = arith.addi %add3A_8, %add3A : i32
    %mul3A_10 = arith.constant 65280 : i32
    %mul3A_11 = arith.muli %add3A_9, %mul3A_10 : i32
    "tpu.region"() ({
      %run_scoped3A = tpu.sem_alloc : memref<!tpu.dma_semaphore, #tpu.memory_space<semaphore_mem>>
      %dma_start3A = tpu.memref_slice %arg3[%mul3A_11] : memref<4177920xi32, #tpu.memory_space<hbm>> -> memref<65280xi32, #tpu.memory_space<hbm>>
      %dma_start3A_22 = tpu.memref_slice %arg3[%mul3A_11] : memref<4177920xi32, #tpu.memory_space<hbm>> -> memref<65280xi32, #tpu.memory_space<hbm>>
      tpu.enqueue_dma source(%arg4 : memref<65280xi32, #tpu.memory_space<vmem>>) target(%dma_start3A_22 : memref<65280xi32, #tpu.memory_space<hbm>>) target_semaphore(%run_scoped3A : memref<!tpu.dma_semaphore, #tpu.memory_space<semaphore_mem>>)
      %dma_wait3A = tpu.memref_slice %arg3[%mul3A_11] : memref<4177920xi32, #tpu.memory_space<hbm>> -> memref<65280xi32, #tpu.memory_space<hbm>>
      %dma_wait3A_23 = tpu.memref_slice %arg3[%mul3A_11] : memref<4177920xi32, #tpu.memory_space<hbm>> -> memref<65280xi32, #tpu.memory_space<hbm>>
      tpu.wait_dma2 semaphore(%run_scoped3A : memref<!tpu.dma_semaphore, #tpu.memory_space<semaphore_mem>>) src(%arg4 : memref<65280xi32, #tpu.memory_space<vmem>>) dst(%dma_wait3A_23 : memref<65280xi32, #tpu.memory_space<hbm>>)
      tpu.yield
    }) : () -> ()
    "tpu.region"() ({
      %run_scoped3A = tpu.sem_alloc : memref<!tpu.dma_semaphore, #tpu.memory_space<semaphore_mem>>
      %dma_start3A = arith.constant 65280 : i32
      %dma_start3A_22 = tpu.memref_slice %arg2[%dma_start3A] : memref<130560xi32, #tpu.memory_space<hbm>> -> memref<65280xi32, #tpu.memory_space<hbm>>
      %dma_start3A_23 = arith.constant 65280 : i32
      %dma_start3A_24 = tpu.memref_slice %arg2[%dma_start3A_23] : memref<130560xi32, #tpu.memory_space<hbm>> -> memref<65280xi32, #tpu.memory_space<hbm>>
      tpu.enqueue_dma source(%dma_start3A_24 : memref<65280xi32, #tpu.memory_space<hbm>>) target(%arg4 : memref<65280xi32, #tpu.memory_space<vmem>>) target_semaphore(%run_scoped3A : memref<!tpu.dma_semaphore, #tpu.memory_space<semaphore_mem>>)
      %dma_wait3A = arith.constant 65280 : i32
      %dma_wait3A_25 = tpu.memref_slice %arg2[%dma_wait3A] : memref<130560xi32, #tpu.memory_space<hbm>> -> memref<65280xi32, #tpu.memory_space<hbm>>
      %dma_wait3A_26 = arith.constant 65280 : i32
      %dma_wait3A_27 = tpu.memref_slice %arg2[%dma_wait3A_26] : memref<130560xi32, #tpu.memory_space<hbm>> -> memref<65280xi32, #tpu.memory_space<hbm>>
      tpu.wait_dma2 semaphore(%run_scoped3A : memref<!tpu.dma_semaphore, #tpu.memory_space<semaphore_mem>>) src(%dma_wait3A_27 : memref<65280xi32, #tpu.memory_space<hbm>>) dst(%arg4 : memref<65280xi32, #tpu.memory_space<vmem>>)
      tpu.yield
    }) : () -> ()
    %scan3A_12 = arith.constant 0 : i32
    %scan3A_13 = arith.constant 0 : i32
    %scan3A_14 = arith.constant 255 : i32
    %scan3A_15 = arith.addi %scan3A_13, %scan3A_14 : i32
    %scan3A_16 = arith.constant 1 : i32
    scf.for %scan3A_22 = %scan3A_13 to %scan3A_15 step %scan3A_16  : i32 {
      %mul3A_23 = arith.constant 256 : i32
      %mul3A_24 = arith.muli %scan3A_22, %mul3A_23 : i32
      %add3A_25 = arith.constant 0 : i32
      %add3A_26 = arith.addi %mul3A_24, %add3A_25 : i32
      %get3A = arith.index_cast %add3A_26 : i32 to index
      %get3A_27 = tpu.vector_load %arg4[%get3A] {strides = array<i32>} : memref<65280xi32, #tpu.memory_space<vmem>>, vector<16xi32>,
      %get3A_28 = vector.shape_cast %get3A_27 : vector<16xi32> to vector<16xi32>
      %add3A_29 = arith.addi %get3A_28, %broadcast_in_dim3A : vector<16xi32>
      %swap3A = arith.index_cast %add3A_26 : i32 to index
      %swap3A_30 = tpu.vector_load %arg4[%swap3A] {strides = array<i32>} : memref<65280xi32, #tpu.memory_space<vmem>>, vector<16xi32>,
      %swap3A_31 = vector.shape_cast %swap3A_30 : vector<16xi32> to vector<16xi32>
      %swap3A_32 = vector.shape_cast %add3A_29 : vector<16xi32> to vector<16xi32>
      tpu.vector_store %arg4[%swap3A], %swap3A_32 {strides = array<i32>} : memref<65280xi32, #tpu.memory_space<vmem>>, vector<16xi32>,
      %add3A_33 = arith.constant 16 : i32
      %add3A_34 = arith.addi %mul3A_24, %add3A_33 : i32
      %get3A_35 = arith.index_cast %add3A_34 : i32 to index
      %get3A_36 = tpu.vector_load %arg4[%get3A_35] {strides = array<i32>} : memref<65280xi32, #tpu.memory_space<vmem>>, vector<16xi32>,
      %get3A_37 = vector.shape_cast %get3A_36 : vector<16xi32> to vector<16xi32>
      %add3A_38 = arith.addi %get3A_37, %broadcast_in_dim3A : vector<16xi32>
      %swap3A_39 = arith.index_cast %add3A_34 : i32 to index
      %swap3A_40 = tpu.vector_load %arg4[%swap3A_39] {strides = array<i32>} : memref<65280xi32, #tpu.memory_space<vmem>>, vector<16xi32>,
      %swap3A_41 = vector.shape_cast %swap3A_40 : vector<16xi32> to vector<16xi32>
      %swap3A_42 = vector.shape_cast %add3A_38 : vector<16xi32> to vector<16xi32>
      tpu.vector_store %arg4[%swap3A_39], %swap3A_42 {strides = array<i32>} : memref<65280xi32, #tpu.memory_space<vmem>>, vector<16xi32>,
      %add3A_43 = arith.constant 32 : i32
      %add3A_44 = arith.addi %mul3A_24, %add3A_43 : i32
      %get3A_45 = arith.index_cast %add3A_44 : i32 to index
      %get3A_46 = tpu.vector_load %arg4[%get3A_45] {strides = array<i32>} : memref<65280xi32, #tpu.memory_space<vmem>>, vector<16xi32>,
      %get3A_47 = vector.shape_cast %get3A_46 : vector<16xi32> to vector<16xi32>
      %add3A_48 = arith.addi %get3A_47, %broadcast_in_dim3A : vector<16xi32>
      %swap3A_49 = arith.index_cast %add3A_44 : i32 to index
      %swap3A_50 = tpu.vector_load %arg4[%swap3A_49] {strides = array<i32>} : memref<65280xi32, #tpu.memory_space<vmem>>, vector<16xi32>,
      %swap3A_51 = vector.shape_cast %swap3A_50 : vector<16xi32> to vector<16xi32>
      %swap3A_52 = vector.shape_cast %add3A_48 : vector<16xi32> to vector<16xi32>
      tpu.vector_store %arg4[%swap3A_49], %swap3A_52 {strides = array<i32>} : memref<65280xi32, #tpu.memory_space<vmem>>, vector<16xi32>,
      %add3A_53 = arith.constant 48 : i32
      %add3A_54 = arith.addi %mul3A_24, %add3A_53 : i32
      %get3A_55 = arith.index_cast %add3A_54 : i32 to index
      %get3A_56 = tpu.vector_load %arg4[%get3A_55] {strides = array<i32>} : memref<65280xi32, #tpu.memory_space<vmem>>, vector<16xi32>,
      %get3A_57 = vector.shape_cast %get3A_56 : vector<16xi32> to vector<16xi32>
      %add3A_58 = arith.addi %get3A_57, %broadcast_in_dim3A : vector<16xi32>
      %swap3A_59 = arith.index_cast %add3A_54 : i32 to index
      %swap3A_60 = tpu.vector_load %arg4[%swap3A_59] {strides = array<i32>} : memref<65280xi32, #tpu.memory_space<vmem>>, vector<16xi32>,
      %swap3A_61 = vector.shape_cast %swap3A_60 : vector<16xi32> to vector<16xi32>
      %swap3A_62 = vector.shape_cast %add3A_58 : vector<16xi32> to vector<16xi32>
      tpu.vector_store %arg4[%swap3A_59], %swap3A_62 {strides = array<i32>} : memref<65280xi32, #tpu.memory_space<vmem>>, vector<16xi32>,
      %add3A_63 = arith.constant 64 : i32
      %add3A_64 = arith.addi %mul3A_24, %add3A_63 : i32
      %get3A_65 = arith.index_cast %add3A_64 : i32 to index
      %get3A_66 = tpu.vector_load %arg4[%get3A_65] {strides = array<i32>} : memref<65280xi32, #tpu.memory_space<vmem>>, vector<16xi32>,
      %get3A_67 = vector.shape_cast %get3A_66 : vector<16xi32> to vector<16xi32>
      %add3A_68 = arith.addi %get3A_67, %broadcast_in_dim3A : vector<16xi32>
      %swap3A_69 = arith.index_cast %add3A_64 : i32 to index
      %swap3A_70 = tpu.vector_load %arg4[%swap3A_69] {strides = array<i32>} : memref<65280xi32, #tpu.memory_space<vmem>>, vector<16xi32>,
      %swap3A_71 = vector.shape_cast %swap3A_70 : vector<16xi32> to vector<16xi32>
      %swap3A_72 = vector.shape_cast %add3A_68 : vector<16xi32> to vector<16xi32>
      tpu.vector_store %arg4[%swap3A_69], %swap3A_72 {strides = array<i32>} : memref<65280xi32, #tpu.memory_space<vmem>>, vector<16xi32>,
      %add3A_73 = arith.constant 80 : i32
      %add3A_74 = arith.addi %mul3A_24, %add3A_73 : i32
      %get3A_75 = arith.index_cast %add3A_74 : i32 to index
      %get3A_76 = tpu.vector_load %arg4[%get3A_75] {strides = array<i32>} : memref<65280xi32, #tpu.memory_space<vmem>>, vector<16xi32>,
      %get3A_77 = vector.shape_cast %get3A_76 : vector<16xi32> to vector<16xi32>
      %add3A_78 = arith.addi %get3A_77, %broadcast_in_dim3A : vector<16xi32>
      %swap3A_79 = arith.index_cast %add3A_74 : i32 to index
      %swap3A_80 = tpu.vector_load %arg4[%swap3A_79] {strides = array<i32>} : memref<65280xi32, #tpu.memory_space<vmem>>, vector<16xi32>,
      %swap3A_81 = vector.shape_cast %swap3A_80 : vector<16xi32> to vector<16xi32>
      %swap3A_82 = vector.shape_cast %add3A_78 : vector<16xi32> to vector<16xi32>
      tpu.vector_store %arg4[%swap3A_79], %swap3A_82 {strides = array<i32>} : memref<65280xi32, #tpu.memory_space<vmem>>, vector<16xi32>,
      %add3A_83 = arith.constant 96 : i32
      %add3A_84 = arith.addi %mul3A_24, %add3A_83 : i32
      %get3A_85 = arith.index_cast %add3A_84 : i32 to index
      %get3A_86 = tpu.vector_load %arg4[%get3A_85] {strides = array<i32>} : memref<65280xi32, #tpu.memory_space<vmem>>, vector<16xi32>,
      %get3A_87 = vector.shape_cast %get3A_86 : vector<16xi32> to vector<16xi32>
      %add3A_88 = arith.addi %get3A_87, %broadcast_in_dim3A : vector<16xi32>
      %swap3A_89 = arith.index_cast %add3A_84 : i32 to index
      %swap3A_90 = tpu.vector_load %arg4[%swap3A_89] {strides = array<i32>} : memref<65280xi32, #tpu.memory_space<vmem>>, vector<16xi32>,
      %swap3A_91 = vector.shape_cast %swap3A_90 : vector<16xi32> to vector<16xi32>
      %swap3A_92 = vector.shape_cast %add3A_88 : vector<16xi32> to vector<16xi32>
      tpu.vector_store %arg4[%swap3A_89], %swap3A_92 {strides = array<i32>} : memref<65280xi32, #tpu.memory_space<vmem>>, vector<16xi32>,
      %add3A_93 = arith.constant 112 : i32
      %add3A_94 = arith.addi %mul3A_24, %add3A_93 : i32
      %get3A_95 = arith.index_cast %add3A_94 : i32 to index
      %get3A_96 = tpu.vector_load %arg4[%get3A_95] {strides = array<i32>} : memref<65280xi32, #tpu.memory_space<vmem>>, vector<16xi32>,
      %get3A_97 = vector.shape_cast %get3A_96 : vector<16xi32> to vector<16xi32>
      %add3A_98 = arith.addi %get3A_97, %broadcast_in_dim3A : vector<16xi32>
      %swap3A_99 = arith.index_cast %add3A_94 : i32 to index
      %swap3A_100 = tpu.vector_load %arg4[%swap3A_99] {strides = array<i32>} : memref<65280xi32, #tpu.memory_space<vmem>>, vector<16xi32>,
      %swap3A_101 = vector.shape_cast %swap3A_100 : vector<16xi32> to vector<16xi32>
      %swap3A_102 = vector.shape_cast %add3A_98 : vector<16xi32> to vector<16xi32>
      tpu.vector_store %arg4[%swap3A_99], %swap3A_102 {strides = array<i32>} : memref<65280xi32, #tpu.memory_space<vmem>>, vector<16xi32>,
      %add3A_103 = arith.constant 128 : i32
      %add3A_104 = arith.addi %mul3A_24, %add3A_103 : i32
      %get3A_105 = arith.index_cast %add3A_104 : i32 to index
      %get3A_106 = tpu.vector_load %arg4[%get3A_105] {strides = array<i32>} : memref<65280xi32, #tpu.memory_space<vmem>>, vector<16xi32>,
      %get3A_107 = vector.shape_cast %get3A_106 : vector<16xi32> to vector<16xi32>
      %add3A_108 = arith.addi %get3A_107, %broadcast_in_dim3A : vector<16xi32>
      %swap3A_109 = arith.index_cast %add3A_104 : i32 to index
      %swap3A_110 = tpu.vector_load %arg4[%swap3A_109] {strides = array<i32>} : memref<65280xi32, #tpu.memory_space<vmem>>, vector<16xi32>,
      %swap3A_111 = vector.shape_cast %swap3A_110 : vector<16xi32> to vector<16xi32>
      %swap3A_112 = vector.shape_cast %add3A_108 : vector<16xi32> to vector<16xi32>
      tpu.vector_store %arg4[%swap3A_109], %swap3A_112 {strides = array<i32>} : memref<65280xi32, #tpu.memory_space<vmem>>, vector<16xi32>,
      %add3A_113 = arith.constant 144 : i32
      %add3A_114 = arith.addi %mul3A_24, %add3A_113 : i32
      %get3A_115 = arith.index_cast %add3A_114 : i32 to index
      %get3A_116 = tpu.vector_load %arg4[%get3A_115] {strides = array<i32>} : memref<65280xi32, #tpu.memory_space<vmem>>, vector<16xi32>,
      %get3A_117 = vector.shape_cast %get3A_116 : vector<16xi32> to vector<16xi32>
      %add3A_118 = arith.addi %get3A_117, %broadcast_in_dim3A : vector<16xi32>
      %swap3A_119 = arith.index_cast %add3A_114 : i32 to index
      %swap3A_120 = tpu.vector_load %arg4[%swap3A_119] {strides = array<i32>} : memref<65280xi32, #tpu.memory_space<vmem>>, vector<16xi32>,
      %swap3A_121 = vector.shape_cast %swap3A_120 : vector<16xi32> to vector<16xi32>
      %swap3A_122 = vector.shape_cast %add3A_118 : vector<16xi32> to vector<16xi32>
      tpu.vector_store %arg4[%swap3A_119], %swap3A_122 {strides = array<i32>} : memref<65280xi32, #tpu.memory_space<vmem>>, vector<16xi32>,
      %add3A_123 = arith.constant 160 : i32
      %add3A_124 = arith.addi %mul3A_24, %add3A_123 : i32
      %get3A_125 = arith.index_cast %add3A_124 : i32 to index
      %get3A_126 = tpu.vector_load %arg4[%get3A_125] {strides = array<i32>} : memref<65280xi32, #tpu.memory_space<vmem>>, vector<16xi32>,
      %get3A_127 = vector.shape_cast %get3A_126 : vector<16xi32> to vector<16xi32>
      %add3A_128 = arith.addi %get3A_127, %broadcast_in_dim3A : vector<16xi32>
      %swap3A_129 = arith.index_cast %add3A_124 : i32 to index
      %swap3A_130 = tpu.vector_load %arg4[%swap3A_129] {strides = array<i32>} : memref<65280xi32, #tpu.memory_space<vmem>>, vector<16xi32>,
      %swap3A_131 = vector.shape_cast %swap3A_130 : vector<16xi32> to vector<16xi32>
      %swap3A_132 = vector.shape_cast %add3A_128 : vector<16xi32> to vector<16xi32>
      tpu.vector_store %arg4[%swap3A_129], %swap3A_132 {strides = array<i32>} : memref<65280xi32, #tpu.memory_space<vmem>>, vector<16xi32>,
      %add3A_133 = arith.constant 176 : i32
      %add3A_134 = arith.addi %mul3A_24, %add3A_133 : i32
      %get3A_135 = arith.index_cast %add3A_134 : i32 to index
      %get3A_136 = tpu.vector_load %arg4[%get3A_135] {strides = array<i32>} : memref<65280xi32, #tpu.memory_space<vmem>>, vector<16xi32>,
      %get3A_137 = vector.shape_cast %get3A_136 : vector<16xi32> to vector<16xi32>
      %add3A_138 = arith.addi %get3A_137, %broadcast_in_dim3A : vector<16xi32>
      %swap3A_139 = arith.index_cast %add3A_134 : i32 to index
      %swap3A_140 = tpu.vector_load %arg4[%swap3A_139] {strides = array<i32>} : memref<65280xi32, #tpu.memory_space<vmem>>, vector<16xi32>,
      %swap3A_141 = vector.shape_cast %swap3A_140 : vector<16xi32> to vector<16xi32>
      %swap3A_142 = vector.shape_cast %add3A_138 : vector<16xi32> to vector<16xi32>
      tpu.vector_store %arg4[%swap3A_139], %swap3A_142 {strides = array<i32>} : memref<65280xi32, #tpu.memory_space<vmem>>, vector<16xi32>,
      %add3A_143 = arith.constant 192 : i32
      %add3A_144 = arith.addi %mul3A_24, %add3A_143 : i32
      %get3A_145 = arith.index_cast %add3A_144 : i32 to index
      %get3A_146 = tpu.vector_load %arg4[%get3A_145] {strides = array<i32>} : memref<65280xi32, #tpu.memory_space<vmem>>, vector<16xi32>,
      %get3A_147 = vector.shape_cast %get3A_146 : vector<16xi32> to vector<16xi32>
      %add3A_148 = arith.addi %get3A_147, %broadcast_in_dim3A : vector<16xi32>
      %swap3A_149 = arith.index_cast %add3A_144 : i32 to index
      %swap3A_150 = tpu.vector_load %arg4[%swap3A_149] {strides = array<i32>} : memref<65280xi32, #tpu.memory_space<vmem>>, vector<16xi32>,
      %swap3A_151 = vector.shape_cast %swap3A_150 : vector<16xi32> to vector<16xi32>
      %swap3A_152 = vector.shape_cast %add3A_148 : vector<16xi32> to vector<16xi32>
      tpu.vector_store %arg4[%swap3A_149], %swap3A_152 {strides = array<i32>} : memref<65280xi32, #tpu.memory_space<vmem>>, vector<16xi32>,
      %add3A_153 = arith.constant 208 : i32
      %add3A_154 = arith.addi %mul3A_24, %add3A_153 : i32
      %get3A_155 = arith.index_cast %add3A_154 : i32 to index
      %get3A_156 = tpu.vector_load %arg4[%get3A_155] {strides = array<i32>} : memref<65280xi32, #tpu.memory_space<vmem>>, vector<16xi32>,
      %get3A_157 = vector.shape_cast %get3A_156 : vector<16xi32> to vector<16xi32>
      %add3A_158 = arith.addi %get3A_157, %broadcast_in_dim3A : vector<16xi32>
      %swap3A_159 = arith.index_cast %add3A_154 : i32 to index
      %swap3A_160 = tpu.vector_load %arg4[%swap3A_159] {strides = array<i32>} : memref<65280xi32, #tpu.memory_space<vmem>>, vector<16xi32>,
      %swap3A_161 = vector.shape_cast %swap3A_160 : vector<16xi32> to vector<16xi32>
      %swap3A_162 = vector.shape_cast %add3A_158 : vector<16xi32> to vector<16xi32>
      tpu.vector_store %arg4[%swap3A_159], %swap3A_162 {strides = array<i32>} : memref<65280xi32, #tpu.memory_space<vmem>>, vector<16xi32>,
      %add3A_163 = arith.constant 224 : i32
      %add3A_164 = arith.addi %mul3A_24, %add3A_163 : i32
      %get3A_165 = arith.index_cast %add3A_164 : i32 to index
      %get3A_166 = tpu.vector_load %arg4[%get3A_165] {strides = array<i32>} : memref<65280xi32, #tpu.memory_space<vmem>>, vector<16xi32>,
      %get3A_167 = vector.shape_cast %get3A_166 : vector<16xi32> to vector<16xi32>
      %add3A_168 = arith.addi %get3A_167, %broadcast_in_dim3A : vector<16xi32>
      %swap3A_169 = arith.index_cast %add3A_164 : i32 to index
      %swap3A_170 = tpu.vector_load %arg4[%swap3A_169] {strides = array<i32>} : memref<65280xi32, #tpu.memory_space<vmem>>, vector<16xi32>,
      %swap3A_171 = vector.shape_cast %swap3A_170 : vector<16xi32> to vector<16xi32>
      %swap3A_172 = vector.shape_cast %add3A_168 : vector<16xi32> to vector<16xi32>
      tpu.vector_store %arg4[%swap3A_169], %swap3A_172 {strides = array<i32>} : memref<65280xi32, #tpu.memory_space<vmem>>, vector<16xi32>,
      %add3A_173 = arith.constant 240 : i32
      %add3A_174 = arith.addi %mul3A_24, %add3A_173 : i32
      %get3A_175 = arith.index_cast %add3A_174 : i32 to index
      %get3A_176 = tpu.vector_load %arg4[%get3A_175] {strides = array<i32>} : memref<65280xi32, #tpu.memory_space<vmem>>, vector<16xi32>,
      %get3A_177 = vector.shape_cast %get3A_176 : vector<16xi32> to vector<16xi32>
      %add3A_178 = arith.addi %get3A_177, %broadcast_in_dim3A : vector<16xi32>
      %swap3A_179 = arith.index_cast %add3A_174 : i32 to index
      %swap3A_180 = tpu.vector_load %arg4[%swap3A_179] {strides = array<i32>} : memref<65280xi32, #tpu.memory_space<vmem>>, vector<16xi32>,
      %swap3A_181 = vector.shape_cast %swap3A_180 : vector<16xi32> to vector<16xi32>
      %swap3A_182 = vector.shape_cast %add3A_178 : vector<16xi32> to vector<16xi32>
      tpu.vector_store %arg4[%swap3A_179], %swap3A_182 {strides = array<i32>} : memref<65280xi32, #tpu.memory_space<vmem>>, vector<16xi32>,
    }
    %scan3A_17 = arith.constant 255 : i32
    %add3A_18 = arith.constant 32 : i32
    %add3A_19 = arith.addi %add3A_18, %add3A : i32
    %mul3A_20 = arith.constant 65280 : i32
    %mul3A_21 = arith.muli %add3A_19, %mul3A_20 : i32
    "tpu.region"() ({
      %run_scoped3A = tpu.sem_alloc : memref<!tpu.dma_semaphore, #tpu.memory_space<semaphore_mem>>
      %dma_start3A = tpu.memref_slice %arg3[%mul3A_21] : memref<4177920xi32, #tpu.memory_space<hbm>> -> memref<65280xi32, #tpu.memory_space<hbm>>
      %dma_start3A_22 = tpu.memref_slice %arg3[%mul3A_21] : memref<4177920xi32, #tpu.memory_space<hbm>> -> memref<65280xi32, #tpu.memory_space<hbm>>
      tpu.enqueue_dma source(%arg4 : memref<65280xi32, #tpu.memory_space<vmem>>) target(%dma_start3A_22 : memref<65280xi32, #tpu.memory_space<hbm>>) target_semaphore(%run_scoped3A : memref<!tpu.dma_semaphore, #tpu.memory_space<semaphore_mem>>)
      %dma_wait3A = tpu.memref_slice %arg3[%mul3A_21] : memref<4177920xi32, #tpu.memory_space<hbm>> -> memref<65280xi32, #tpu.memory_space<hbm>>
      %dma_wait3A_23 = tpu.memref_slice %arg3[%mul3A_21] : memref<4177920xi32, #tpu.memory_space<hbm>> -> memref<65280xi32, #tpu.memory_space<hbm>>
      tpu.wait_dma2 semaphore(%run_scoped3A : memref<!tpu.dma_semaphore, #tpu.memory_space<semaphore_mem>>) src(%arg4 : memref<65280xi32, #tpu.memory_space<vmem>>) dst(%dma_wait3A_23 : memref<65280xi32, #tpu.memory_space<hbm>>)
      tpu.yield
    }) : () -> ()
    return
  }
}

module attributes {stable_mosaic.version = 14 : i64} {
  func.func @_template_kernel(%arg0: memref<2x65280xi32, #tpu.memory_space<vmem>>) attributes {dimension_semantics = [], scalar_prefetch = 0 : i64, scratch_operands = 0 : i64, tpu.core_type = #tpu.core_type<tc>} {
    %iota3A = tpu.iota {dimensions = array<i32: 1>} : vector<1x65280xi32>
    %shift_right_arithmetic3A = arith.constant 8 : i32
    %shift_right_arithmetic3A_0 = vector.broadcast %shift_right_arithmetic3A : i32 to vector<1x65280xi32>
    %shift_right_arithmetic3A_1 = arith.shrsi %iota3A, %shift_right_arithmetic3A_0 : vector<1x65280xi32>
    %add3A = arith.addi %iota3A, %shift_right_arithmetic3A_1 : vector<1x65280xi32>
    %add3A_2 = arith.constant 1 : i32
    %add3A_3 = vector.broadcast %add3A_2 : i32 to vector<1x65280xi32>
    %add3A_4 = arith.addi %add3A, %add3A_3 : vector<1x65280xi32>
    %shift_right_arithmetic3A_5 = arith.constant 8 : i32
    %shift_right_arithmetic3A_6 = vector.broadcast %shift_right_arithmetic3A_5 : i32 to vector<1x65280xi32>
    %shift_right_arithmetic3A_7 = arith.shrsi %add3A_4, %shift_right_arithmetic3A_6 : vector<1x65280xi32>
    %shift_left3A = arith.constant 8 : i32
    %shift_left3A_8 = vector.broadcast %shift_left3A : i32 to vector<1x65280xi32>
    %shift_left3A_9 = arith.shli %shift_right_arithmetic3A_7, %shift_left3A_8 : vector<1x65280xi32>
    %sub3A = arith.subi %shift_left3A_9, %shift_right_arithmetic3A_7 : vector<1x65280xi32>
    %sub3A_10 = arith.subi %iota3A, %sub3A : vector<1x65280xi32>
    %swap3A = arith.constant 0 : index
    %swap3A_11 = arith.constant 0 : index
    %swap3A_12 = vector.load %arg0[%swap3A, %swap3A_11] : memref<2x65280xi32, #tpu.memory_space<vmem>>, vector<1x65280xi32>
    tpu.vector_store %arg0[%swap3A, %swap3A_11], %shift_right_arithmetic3A_7 {strides = array<i32>} : memref<2x65280xi32, #tpu.memory_space<vmem>>, vector<1x65280xi32>,
    %ge3A = arith.cmpi sge, %sub3A_10, %shift_right_arithmetic3A_7 : vector<1x65280xi32>
    %convert_element_type3A = arith.extui %ge3A : vector<1x65280xi1> to vector<1x65280xi32>
    %add3A_13 = arith.addi %sub3A_10, %convert_element_type3A : vector<1x65280xi32>
    %swap3A_14 = arith.constant 1 : index
    %swap3A_15 = arith.constant 0 : index
    %swap3A_16 = vector.load %arg0[%swap3A_14, %swap3A_15] : memref<2x65280xi32, #tpu.memory_space<vmem>>, vector<1x65280xi32>
    tpu.vector_store %arg0[%swap3A_14, %swap3A_15], %add3A_13 {strides = array<i32>} : memref<2x65280xi32, #tpu.memory_space<vmem>>, vector<1x65280xi32>,
    return
  }
}

module attributes {stable_mosaic.version = 14 : i64} {
  func.func @_nodes_kernel(%arg0: i32, %arg1: memref<256x64xf32, #tpu.memory_space<vmem>>, %arg2: memref<256x66xf32, #tpu.memory_space<vmem>>, %arg3: memref<256x1xi32, #tpu.memory_space<vmem>>) attributes {dimension_semantics = [#tpu.dimension_semantics<arbitrary>], iteration_bounds = array<i64: 32>, scalar_prefetch = 0 : i64, scratch_operands = 0 : i64, tpu.core_type = #tpu.core_type<tc>, window_params = [{transform_indices = @transform_0, window_bounds = array<i64: 256, 64>}, {transform_indices = @transform_1, window_bounds = array<i64: 256, 66>}, {transform_indices = @transform_2, window_bounds = array<i64: 256, 1>}]} {
    %iota3A = tpu.iota {dimensions = array<i32: 0>} : vector<256x1xi32>
    %shift_right_arithmetic3A = arith.constant 4 : i32
    %shift_right_arithmetic3A_0 = vector.broadcast %shift_right_arithmetic3A : i32 to vector<256x1xi32>
    %shift_right_arithmetic3A_1 = arith.shrsi %iota3A, %shift_right_arithmetic3A_0 : vector<256x1xi32>
    %convert_element_type3A = arith.sitofp %shift_right_arithmetic3A_1 : vector<256x1xi32> to vector<256x1xf32>
    %mul3A = arith.constant 0.0666666701 : f32
    %mul3A_2 = vector.broadcast %mul3A : f32 to vector<256x1xf32>
    %mul3A_3 = arith.mulf %convert_element_type3A, %mul3A_2 : vector<256x1xf32>
    %and3A = arith.constant 15 : i32
    %and3A_4 = vector.broadcast %and3A : i32 to vector<256x1xi32>
    %and3A_5 = arith.andi %iota3A, %and3A_4 : vector<256x1xi32>
    %convert_element_type3A_6 = arith.sitofp %and3A_5 : vector<256x1xi32> to vector<256x1xf32>
    %mul3A_7 = arith.constant 0.0666666701 : f32
    %mul3A_8 = vector.broadcast %mul3A_7 : f32 to vector<256x1xf32>
    %mul3A_9 = arith.mulf %convert_element_type3A_6, %mul3A_8 : vector<256x1xf32>
    %get3A = arith.constant 0 : index
    %get3A_10 = arith.constant 0 : index
    %get3A_11 = vector.load %arg1[%get3A, %get3A_10] : memref<256x64xf32, #tpu.memory_space<vmem>>, vector<256x64xf32>
    %concatenate3A = tpu.concatenate %get3A_11, %mul3A_3, %mul3A_9 in 1 : vector<256x64xf32>, vector<256x1xf32>, vector<256x1xf32> -> vector<256x66xf32>
    %swap3A = arith.constant 0 : index
    %swap3A_12 = arith.constant 0 : index
    %swap3A_13 = vector.load %arg2[%swap3A, %swap3A_12] : memref<256x66xf32, #tpu.memory_space<vmem>>, vector<256x66xf32>
    tpu.vector_store %arg2[%swap3A, %swap3A_12], %concatenate3A {strides = array<i32>} : memref<256x66xf32, #tpu.memory_space<vmem>>, vector<256x66xf32>,
    %broadcast_in_dim3A = vector.broadcast %arg0 : i32 to vector<256x1xi32>
    %swap3A_14 = arith.constant 0 : index
    %swap3A_15 = arith.constant 0 : index
    %swap3A_16 = vector.load %arg3[%swap3A_14, %swap3A_15] : memref<256x1xi32, #tpu.memory_space<vmem>>, vector<256x1xi32>
    tpu.vector_store %arg3[%swap3A_14, %swap3A_15], %broadcast_in_dim3A {strides = array<i32>} : memref<256x1xi32, #tpu.memory_space<vmem>>, vector<256x1xi32>,
    return
  }
  func.func @transform_0(%arg0: i32) -> (i32, i32) {
    %c0_i32 = arith.constant 0 : i32
    %c0_i32_0 = arith.constant 0 : i32
    return %arg0, %c0_i32 : i32, i32
  }
  func.func @transform_1(%arg0: i32) -> (i32, i32) {
    %c0_i32 = arith.constant 0 : i32
    %c0_i32_0 = arith.constant 0 : i32
    return %arg0, %c0_i32 : i32, i32
  }
  func.func @transform_2(%arg0: i32) -> (i32, i32) {
    %c0_i32 = arith.constant 0 : i32
    %c0_i32_0 = arith.constant 0 : i32
    return %arg0, %c0_i32 : i32, i32
  }
}

</mosaic_0001>

<sc_bundles>
// kernel: kernel.5.cloned.1.call-start
scs
__scs_entry_jumppad:
0x0: {  	(pc) =	sbr.rel $0x88, $3  }
0x1: {  	(tag) =	ssettag $0x0;
	lr =	simm.s32 $0x1  }
0x2: {  	[smem:$0x3F9F] =	sst lr;
	_ =	strace $0xD0000000  }
0x3: {  	_ = 	snop  }
0x4: {  	_ = 	snop  }
0x5: {  	_ = 	snop  }
0x6: {  	_ = 	snop  }
0x7: {  	_ = 	snop  }
__scs_overlays_trampoline_lowered:
0x8: {  	[smem:$0x3FAE] =	sst s0  }
0x9: {  	[smem:$0x3FAF] =	sst s1  }
0xa: {  	[smem:$0x3FB0] =	sst s2  }
0xb: {  	[smem:$0x3FB1] =	sst s3  }
0xc: {  	[smem:$0x3FB2] =	sst s4  }
0xd: {  	[smem:$0x3FB3] =	sst s5  }
0xe: {  	[smem:$0x3FB4] =	sst s6  }
0xf: {  	[smem:$0x3FB5] =	sst s7  }
0x10: {  	[smem:$0x3FB6] =	sst s8  }
0x11: {  	[smem:$0x3FB7] =	sst s9;
	s0 =	simm.s32 @!p0 $0x0  }
0x12: {  	s1 =	sld [smem:$0x3F9D];
	s0 =	simm.s32 @p0 $0x1  }
0x13: {  	[smem:$0x3FB8] =	sst s0;
	s0 =	simm.s32 @!p1 $0x0  }
0x14: {  	s2 =	sld [smem:$0x3F9C];
	s0 =	simm.s32 @p1 $0x1  }
0x15: {  	[smem:$0x3FB9] =	sst s0;
	s0 =	simm.s32 @!p2 $0x0  }
0x16: {  	s3 =	sld [smem:$0x3FDB];
	s0 =	simm.s32 @p2 $0x1  }
0x17: {  	s4 =	simm.s32 $0x1BF5;
	[smem:$0x3FBB] =	sst s0  }
0x18: {  	s0 =	sld [smem:$0x3F9E];
	_ =	swait.ge [sflag:s4], $0x0  }
0x19: {  	s7 =	sld [smem:$0x3F9F]  }
0x1a: {  	s8 =	sadd.s32 $0xFFFFE003, lr  }
0x1b: {  	s9 =	sadd.s32 $0xFFFFFEF7, lr;
	s5 =	simm.s32 $0xFFFFFFFF;
	p2 =	slt.u32 s8, $0xFFFFF086  }
0x1c: {  	p1 =	slt.u32 s9, $0xF7A;
	s5 =	simm.s32 @!p2 $0x0  }
0x1d: {  	s5 =	simm.s32 @p1 $0x1;
	p0 =	seq.s32 s7, s2  }
0x1e: {  	s7 =	smul.u32 @!p0 $0xF7A, s2;
	p2 =	seq.s32 @!p0 s5, $0x0  }
0x1f: {  	s9 =	smul.u32 $0xF7A, s1;
	s8 =	simm.s32 @!p0 $0x1BF5;
	p2 =	por !p2, p0  }
0x20: {  	[sflag:s8] =	ssyncset.s32 @!p0 $0xFFFFF086;
	s6 =	sadd.s32 @!p0 s3, s7;
	s7 =	simm.s32 @!p0 $0x108  }
0x21: {  	s3 =	sadd.s32 s3, s9;
	s6 =	sadd.s32 @!p0 $0x88, s6;
	s7 =	simm.s32 @p2 $0x1082  }
0x22: {  	[simem:s7], [sflag:s8] =	dma.local @!p0 [hbm:s6], $0xF7A  }
0x23: {  	s9 =	sor.u32 $0xD0000000, s2;
	s6 =	simm.s32 $0x108;
	_ =	swait.ge @!p0 [sflag:s8], $0x0  }
0x24: {  	s3 =	sadd.s32 $0x88, s3;
	s6 =	simm.s32 @!p1 $0x1082;
	[sflag:s4] =	ssyncset.s32 $0xFFFFF086  }
0x25: {  	[simem:s6], [sflag:s4] =	dma.local [hbm:s3], $0xF7A  }
0x26: {  	[smem:$0x3F9F] =	sst s1;
	(tag) =	ssettag s2;
	_ =	strace s9  }
0x27: {  	s1 =	sld [smem:$0x3FAF]  }
0x28: {  	s2 =	sld [smem:$0x3FB0]  }
0x29: {  	s4 =	sld [smem:$0x3FB2]  }
0x2a: {  	p0 =	seq.s32 s5, $0x0;
	s5 =	sld [smem:$0x3FB3]  }
0x2b: {  	s6 =	sld [smem:$0x3FB4]  }
0x2c: {  	s7 =	sld [smem:$0x3FB5]  }
0x2d: {  	s3 =	simm.s32 $0x108;
	s8 =	sld [smem:$0x3FB6]  }
0x2e: {  	s3 =	simm.s32 @!p0 $0x1082;
	s9 =	sld [smem:$0x3FB7]  }
0x2f: {  	lr =	sadd.s32 s0, s3;
	s0 =	sld [smem:$0x3FAE]  }
0x30: {  	s3 =	sld [smem:$0x3FB1]  }
0x31: {  	[smem:$0x3FBA] =	sst s10  }
0x32: {  	s10 =	sld [smem:$0x3FB8];
	_ =	sdelay $0x3  }
0x33: {  	p0 =	seq.s32 s10, $0x1;
	s10 =	sld [smem:$0x3FBA];
	_ =	sdelay $0x3  }
0x34: {  	[smem:$0x3FBA] =	sst s10  }
0x35: {  	s10 =	sld [smem:$0x3FB9];
	_ =	sdelay $0x3  }
0x36: {  	p1 =	seq.s32 s10, $0x1;
	s10 =	sld [smem:$0x3FBA];
	_ =	sdelay $0x3  }
0x37: {  	[smem:$0x3FBA] =	sst s10  }
0x38: {  	s10 =	sld [smem:$0x3FBB]  }
0x39: {  	_ = 	snop;
	(pc) =	sbr.ind lr, $3  }
0x3a: {  	_ = 	snop  }
0x3b: {  	_ = 	snop  }
0x3c: {  	p2 =	seq.s32 s10, $0x1;
	s10 =	sld [smem:$0x3FBA]  }
0x3d: {  	_ =	shalt  }
0x3e: {  	_ =	shalt  }
0x3f: {  	_ =	shalt  }
0x40: {  	_ =	shalt  }
0x41: {  	_ =	shalt  }
0x42: {  	_ =	shalt  }
0x43: {  	_ =	shalt  }
0x44: {  	_ =	shalt  }
0x45: {  	_ =	shalt  }
0x46: {  	_ =	shalt  }
0x47: {  	_ =	shalt  }
0x48: {  	_ =	shalt  }
0x49: {  	_ =	shalt  }
0x4a: {  	_ =	shalt  }
0x4b: {  	_ =	shalt  }
0x4c: {  	_ =	shalt  }
0x4d: {  	_ =	shalt  }
0x4e: {  	_ =	shalt  }
0x4f: {  	_ =	shalt  }
0x50: {  	_ =	shalt  }
0x51: {  	_ =	shalt  }
0x52: {  	_ =	shalt  }
0x53: {  	_ =	shalt  }
0x54: {  	_ =	shalt  }
0x55: {  	_ =	shalt  }
0x56: {  	_ =	shalt  }
0x57: {  	_ =	shalt  }
0x58: {  	_ =	shalt  }
0x59: {  	_ =	shalt  }
0x5a: {  	_ =	shalt  }
0x5b: {  	_ =	shalt  }
0x5c: {  	_ =	shalt  }
0x5d: {  	_ =	shalt  }
0x5e: {  	_ =	shalt  }
0x5f: {  	_ =	shalt  }
0x60: {  	_ =	shalt  }
0x61: {  	_ =	shalt  }
0x62: {  	_ =	shalt  }
0x63: {  	_ =	shalt  }
0x64: {  	_ =	shalt  }
0x65: {  	_ =	shalt  }
0x66: {  	_ =	shalt  }
0x67: {  	_ =	shalt  }
0x68: {  	_ =	shalt  }
0x69: {  	_ =	shalt  }
0x6a: {  	_ =	shalt  }
0x6b: {  	_ =	shalt  }
0x6c: {  	_ =	shalt  }
0x6d: {  	_ =	shalt  }
0x6e: {  	_ =	shalt  }
0x6f: {  	_ =	shalt  }
0x70: {  	_ =	shalt  }
0x71: {  	_ =	shalt  }
0x72: {  	_ =	shalt  }
0x73: {  	_ =	shalt  }
0x74: {  	_ =	shalt  }
0x75: {  	_ =	shalt  }
0x76: {  	_ =	shalt  }
0x77: {  	_ =	shalt  }
0x78: {  	_ =	shalt  }
0x79: {  	_ =	shalt  }
0x7a: {  	_ =	shalt  }
0x7b: {  	_ =	shalt  }
0x7c: {  	_ =	shalt  }
0x7d: {  	_ =	shalt  }
0x7e: {  	_ =	shalt  }
0x7f: {  	_ =	shalt  }
0x80: {  	_ =	shalt  }
0x81: {  	_ =	shalt  }
0x82: {  	_ =	shalt  }
0x83: {  	_ =	shalt  }
0x84: {  	_ =	shalt  }
0x85: {  	_ =	shalt  }
0x86: {  	_ =	shalt  }
0x87: {  	_ =	shalt  }
.Lfunc_end0:
.L_simem_size_0:
called_computation_lowered:
.L_overlay_start_0:
0x88: {  	s2 =	sld [smem:$0x3FD9]  }
0x89: {  	s3 =	sld [smem:$0x3FFE];
	_ =	sdelay $0x1  }
0x8a: {  	s1 =	srdreg.scid  }
0x8b: {  	s0 =	sand.u32 $0x1, s1  }
0x8c: {  	s14 =	sshll.u32 s0, $0xA;
	s2 =	sadd.s32 s3, s2  }
0x8d: {  	s2 =	sadd.s32 s2, s14  }
0x8e: {  	[smem:$0x3FC6] =	sst s2  }
0x8f: {  	_ = 	snop  }
0x90: {  	s2 =	sld [smem:$0x3FD0];
	_ =	sdelay $0x2  }
0x91: {  	s15 =	simm.s32 $0xA;
	s4 =	simm.s32 $0x10  }
0x92: {  	[smem:s4], [sflag:s15] =	dma.local [hbm:s2], $0x1  }
0x93: {  	_ =	swait.eq [sflag:s15], $0x1  }
0x94: {  	[sflag:s15] =	ssyncset.done $0x0  }
0x95: {  	[sflag:s15] =	ssyncadd.s32 $0xFFFFFFFF  }
0x96: {  	s16 =	sld [smem:$0x11];
	(tm) =	ssettm $0x1  }
0x97: {  	s17 =	sld [smem:$0x3FFB];
	_ =	sdelay $0x3  }
0x98: {  	_ =	strace s17  }
0x99: {  	s3 =	sld [smem:$0x3FFC];
	_ =	sdelay $0x3  }
0x9a: {  	_ =	strace s3  }
0x9b: {  	s3 =	sld [smem:$0x3FFD];
	_ =	sdelay $0x3  }
0x9c: {  	_ =	strace s3  }
0x9d: {  	_ =	strace $0x8FFFFFFF  }
0x9e: {  	s18 =	sld [smem:$0x3FDB];
	_ =	sdelay $0x1  }
0x9f: {  	s19 =	simm.s32 $_scs_section_size  }
0xa0: {  	s5 =	simm.s32 $_size__tile_overlayer_lowered;
	s6 =	simm.s32 $_tile_overlayer_lowered  }
0xa1: {  	s22 =	simm.s32 $0x1BFF;
	s21 =	sshll.u32 s6, $0x1;
	s3 =	sadd.s32 s19, s18  }
0xa2: {  	s7 =	simm.s32 $0x0;
	s20 =	sshll.u32 s5, $0x1;
	s5 =	sadd.s32 s21, s3  }
0xa3: {  	[timem:s7], [sflag:s22] =	dma.local [hbm:s5], s20  }
0xa4: {  	_ =	swait.ge [sflag:s22], s20  }
0xa5: {  	s4 =	ssub.s32 $0x0, s20;
	[sflag:s22] =	ssyncset.done $0x0  }
0xa6: {  	[sflag:s22] =	ssyncadd.s32 s4;
	_ =	sdelay $0x1  }
0xa7: {  	s23 =	simm.s32 $0x1B8B  }
0xa8: {  	_ =	swait.ge [sflag:s23], $0x1  }
0xa9: {  	[sflag:s23] =	ssyncset.done $0x0  }
0xaa: {  	s25 =	simm.s32 $0x1B8E;
	s24 =	sld [smem:$0x3FFE];
	[sflag:s23] =	ssyncadd.s32 $0xFFFFFFFF  }
0xab: {  	s26 =	simm.s32 $execute0_lowered;
	[smem:$0x3FD2] =	sst s25  }
0xac: {  	s5 =	sshll.u32 s26, $0x1;
	_ =	strace $0x80000046;
	[dreg:$0x1] =	wrdreg $0xFFFFFFFF  }
0xad: {  	s28 =	simm.s32 $_size_execute0_lowered;
	s3 =	sadd.s32 s3, s5;
	[dreg:$0x0] =	wrdreg $0x0  }
0xae: {  	s5 =	sshll.u32 s28, $0x1;
	[dreg:$0x2] =	wrdreg s3  }
0xaf: {  	[dreg:$0x3] =	wrdreg s5  }
0xb0: {  	[dreg:$0x4] =	wrdreg $0xC0  }
0xb1: {  	_ =	task [dreg:s7], $0x5FFFF  }
0xb2: {  	[dreg:$0x1] =	wrdreg $0xFFFFFFFF  }
0xb3: {  	[dreg:$0x0] =	wrdreg $0x60  }
0xb4: {  	[dreg:$0x2] =	wrdreg s16  }
0xb5: {  	[dreg:$0x3] =	wrdreg s24  }
0xb6: {  	[dreg:$0x4] =	wrdreg $0x9  }
0xb7: {  	_ =	task.clear_ibuf [dreg:s7], $0x5FFFF;
	_ =	strace $0x90000046  }
0xb8: {  	s29 =	simm.s32 $0x9;
	_ =	strace $0x80000048  }
0xb9: {  	_ =	swait.ge [sflag:s29], $0x1  }
0xba: {  	[sflag:s29] =	ssyncadd.s32 $0xFFFFFFFF  }
0xbb: {  	_ =	strace $0x90000048  }
0xbc: {  	_ =	sfence  }
0xbd: {  	s30 =	sld [smem:$0x0];
	_ =	sdelay $0x2  }
0xbe: {  	s31 =	sshll.u32 s1, $0xD;
	s1 =	sshrl.u32 s1, $0x2  }
0xbf: {  	s3 =	sand.u32 $0x4000, s31;
	s1 =	sadd.s32 s1, s30  }
0xc0: {  	s0 =	sor.u32 s3, s0;
	s1 =	sshll.u32 s1, $0x11  }
0xc1: {  	s0 =	sor.u32 s1, s0  }
0xc2: {  	s0 =	sadd.s32 $0x8F2B, s0  }
0xc3: {  	[sflag:s0] =	ssyncadd.remote.s32 $0x1  }
0xc4: {  	_ =	sfence.sel $0xFFFF  }
0xc5: {  	[dreg:$0x0] =	wrdreg $0xFFFFFFFF;
	(pc) =	sbr.abs _section_cstart, $3  }
0xc6: {  	[dreg:$0x1] =	wrdreg $0xFFFFFFFF  }
0xc7: {  	_ =	task.clear_ibuf [dreg:s7], $0x2FFFF;
	_ =	strace $0x9FFFFFFF  }
0xc8: {  	(tm) =	ssettm $0x7FFFFFFF  }
0xc9: {  	_ =	shalt  }
tec
execute0_lowered:
.L_overlay_start_1:
0x0: {  	(tag) =	ssettag $0x1  }
0x1: {  	s0 =	srdreg.scid  }
0x2: {  	s4 =	sand.u32 $0x1, s0  }
0x3: {  	s2 =	rddreg [dreg:$0x0];
	s1 =	stileid.u32;
	s6 =	sshll.u32 s4, $0x4  }
0x4: {  	s5 =	rddreg [dreg:$0x1];
	s3 =	simm.s32 $0x0;
	s6 =	sor.u32 s1, s6  }
0x5: {  	s0 =	rddreg [dreg:$0x2];
	s4 =	ssub.s32 $0x2, s4;
	s7 =	smul.u32 $0xFF00, s6  }
0x6: {  	[smem:$0x7FF] =	sst s3;
	s8 =	sshrl.u32 s4, $0x1;
	s9 =	smul.u32 $0x1FE0, s6  }
0x7: {  	s5 =	sadd.s32 $0x600, s5;
	_ =	strace $0x80000047;
	s8 =	ssub.s32 s4, s8  }
0x8: {  	s10 =	sshll.u32 s6, $0x8;
	s7 =	sshrl.u32 s7, $0x3;
	s4 =	sadd.s32 s5, s9  }
0x9: {  	s9 =	simm.s32 $0x0;
	s31 =	sadd.s32 s5, s7;
	s5 =	sadd.s32 $0x1FE0, s2  }
0xa: {  	v0 =	vmov s10;
	s7 =	smax.u32 s8, $0x1;
	s8 =	simm.s32 $0x1;
	s6 =	sadd.s32 $0x3FC00, s31  }
.LBB2_1:
0xb: {  	[tilespmem:s3], [sflag:$0x1] =	stream.linear.gather [hbm4b:s2+s3], $0xFF00, $0x38;
	[tilespmem:$0xFF00] =	vst v63  }
0xc: {  	_ =	swait.ge [sflag:s8], $0xFF00  }
0xd: {  	[sflag:s8] =	ssyncset.done $0x0  }
0xe: {  	s10 =	simm.s32 $0x0;
	[sflag:s8] =	ssyncadd.s32 $0xFFFF0100  }
0xf: {  	v1 =	vld [tilespmem:s10+$0x0]  }
0x10: {  	v2 =	vld [tilespmem:s10+$0x10]  }
0x11: {  	v3 =	vld [tilespmem:s10+$0x20]  }
0x12: {  	v4 =	vld [tilespmem:s10+$0x30]  }
0x13: {  	v5 =	vld [tilespmem:s10+$0x40]  }
0x14: {  	v6 =	vld [tilespmem:s10+$0x50];
	v1 =	vadd.s32 v0, v1  }
0x15: {  	v7 =	vld [tilespmem:s10+$0x60];
	[tilespmem:s10+$0x0] =	vst v1;
	v1 =	vadd.s32 v0, v2  }
0x16: {  	[tilespmem:s10+$0x10] =	vst v1;
	v1 =	vadd.s32 v0, v3;
	v3 =	vld [tilespmem:s10+$0x70]  }
0x17: {  	[tilespmem:s10+$0x20] =	vst v1;
	v1 =	vadd.s32 v0, v4;
	v4 =	vld [tilespmem:s10+$0x80]  }
0x18: {  	[tilespmem:s10+$0x30] =	vst v1;
	v1 =	vadd.s32 v0, v5;
	v5 =	vld [tilespmem:s10+$0x90]  }
0x19: {  	v2 =	vld [tilespmem:s10+$0xA0];
	[tilespmem:s10+$0x40] =	vst v1;
	v1 =	vadd.s32 v0, v6  }
0x1a: {  	v6 =	vadd.s32 v0, v7;
	[tilespmem:s10+$0x50] =	vst v1;
	v1 =	vld [tilespmem:s10+$0xB0]  }
0x1b: {  	[tilespmem:s10+$0x60] =	vst v6;
	v6 =	vadd.s32 v0, v3;
	v3 =	vld [tilespmem:s10+$0xC0]  }
0x1c: {  	[tilespmem:s10+$0x70] =	vst v6;
	v6 =	vadd.s32 v0, v4;
	v4 =	vld [tilespmem:s10+$0xD0]  }
0x1d: {  	s11 =	simm.s32 $0x400;
	[tilespmem:s10+$0x80] =	vst v6;
	v6 =	vadd.s32 v0, v5;
	v5 =	vld [tilespmem:s10+$0xE0]  }
.LBB2_2:
0x1e: {  	s12 =	sshra.s32 s11, $0x2;
	p0 =	sne.s32 s11, $0x3F800;
	[tilespmem:s10+$0x90] =	vst v6;
	v2 =	vadd.s32 v0, v2;
	v6 =	vld [tilespmem:s10+$0xF0]  }
0x1f: {  	v7 =	vld [tilespmem:s12+$0x0];
	[tilespmem:s10+$0xA0] =	vst v2;
	v1 =	vadd.s32 v0, v1  }
0x20: {  	v2 =	vld [tilespmem:s12+$0x10];
	[tilespmem:s10+$0xB0] =	vst v1;
	v1 =	vadd.s32 v0, v3  }
0x21: {  	v3 =	vld [tilespmem:s12+$0x20];
	[tilespmem:s10+$0xC0] =	vst v1;
	v1 =	vadd.s32 v0, v4  }
0x22: {  	v4 =	vld [tilespmem:s12+$0x30];
	[tilespmem:s10+$0xD0] =	vst v1;
	v1 =	vadd.s32 v0, v5  }
0x23: {  	v5 =	vld [tilespmem:s12+$0x40];
	[tilespmem:s10+$0xE0] =	vst v1;
	v1 =	vadd.s32 v0, v6  }
0x24: {  	v6 =	vadd.s32 v0, v7;
	v7 =	vld [tilespmem:s12+$0x50];
	[tilespmem:s10+$0xF0] =	vst v1;
	s10 =	smov.u32 s12  }
0x25: {  	[tilespmem:s10+$0x0] =	vst v6;
	v1 =	vadd.s32 v0, v2;
	v6 =	vld [tilespmem:s10+$0x60]  }
0x26: {  	[tilespmem:s10+$0x10] =	vst v1;
	v1 =	vadd.s32 v0, v3;
	v3 =	vld [tilespmem:s10+$0x70]  }
0x27: {  	[tilespmem:s10+$0x20] =	vst v1;
	v1 =	vadd.s32 v0, v4;
	v4 =	vld [tilespmem:s10+$0x80]  }
0x28: {  	[tilespmem:s10+$0x30] =	vst v1;
	v1 =	vadd.s32 v0, v5;
	v5 =	vld [tilespmem:s10+$0x90]  }
.Ltmp0:
0x29: {  	[tilespmem:s10+$0x40] =	vst v1;
	v1 =	vadd.s32 v0, v7;
	v2 =	vld [tilespmem:s10+$0xA0];
	(pc) =	sbr.rel @p0 .LBB2_2-.Ltmp0, $4  }
0x2a: {  	[tilespmem:s10+$0x50] =	vst v1;
	v6 =	vadd.s32 v0, v6;
	v1 =	vld [tilespmem:s10+$0xB0]  }
0x2b: {  	[tilespmem:s10+$0x60] =	vst v6;
	v6 =	vadd.s32 v0, v3;
	v3 =	vld [tilespmem:s10+$0xC0]  }
0x2c: {  	[tilespmem:s10+$0x70] =	vst v6;
	v6 =	vadd.s32 v0, v4;
	v4 =	vld [tilespmem:s10+$0xD0]  }
0x2d: {  	s11 =	sadd.s32 $0x400, s11;
	[tilespmem:s10+$0x80] =	vst v6;
	v6 =	vadd.s32 v0, v5;
	v5 =	vld [tilespmem:s10+$0xE0]  }
0x2e: {  	[tilespmem:s10+$0x90] =	vst v6;
	v2 =	vadd.s32 v0, v2;
	v6 =	vld [tilespmem:s10+$0xF0]  }
0x2f: {  	[tilespmem:s10+$0xA0] =	vst v2;
	v1 =	vadd.s32 v0, v1  }
0x30: {  	[tilespmem:s10+$0xB0] =	vst v1;
	v1 =	vadd.s32 v0, v3  }
0x31: {  	[tilespmem:s10+$0xC0] =	vst v1;
	v1 =	vadd.s32 v0, v4  }
0x32: {  	[tilespmem:s10+$0xD0] =	vst v1;
	v1 =	vadd.s32 v0, v5  }
0x33: {  	[tilespmem:s10+$0xE0] =	vst v1;
	v1 =	vadd.s32 v0, v6  }
0x34: {  	s31 =	simm.s32 $0x0;
	[tilespmem:s10+$0xF0] =	vst v1  }
0x35: {  	[hbm4b:s4+s31] =	stream.linear.scatter [tilespmem:s31], [sflag:$0x1], $0xFF00, $0x38;
	[tilespmem:$0xFF00] =	vst v63  }
0x36: {  	_ =	swait.ge [sflag:s8], $0xFF00  }
0x37: {  	[sflag:s8] =	ssyncset.done $0x0  }
0x38: {  	[sflag:s8] =	ssyncadd.s32 $0xFFFF0100  }
0x39: {  	[tilespmem:s31], [sflag:$0x1] =	stream.linear.gather [hbm4b:s5+s31], $0xFF00, $0x38;
	[tilespmem:$0xFF00] =	vst v63  }
0x3a: {  	_ =	swait.ge [sflag:s8], $0xFF00  }
0x3b: {  	[sflag:s8] =	ssyncset.done $0x0  }
0x3c: {  	s10 =	simm.s32 $0x0;
	[sflag:s8] =	ssyncadd.s32 $0xFFFF0100  }
0x3d: {  	v1 =	vld [tilespmem:s10+$0x0]  }
0x3e: {  	v2 =	vld [tilespmem:s10+$0x10]  }
0x3f: {  	v3 =	vld [tilespmem:s10+$0x20]  }
0x40: {  	v4 =	vld [tilespmem:s10+$0x30]  }
0x41: {  	v5 =	vld [tilespmem:s10+$0x40]  }
0x42: {  	v6 =	vld [tilespmem:s10+$0x50];
	v1 =	vadd.s32 v0, v1  }
0x43: {  	v7 =	vld [tilespmem:s10+$0x60];
	[tilespmem:s10+$0x0] =	vst v1;
	v1 =	vadd.s32 v0, v2  }
0x44: {  	[tilespmem:s10+$0x10] =	vst v1;
	v1 =	vadd.s32 v0, v3;
	v3 =	vld [tilespmem:s10+$0x70]  }
0x45: {  	[tilespmem:s10+$0x20] =	vst v1;
	v1 =	vadd.s32 v0, v4;
	v4 =	vld [tilespmem:s10+$0x80]  }
0x46: {  	[tilespmem:s10+$0x30] =	vst v1;
	v1 =	vadd.s32 v0, v5;
	v5 =	vld [tilespmem:s10+$0x90]  }
0x47: {  	v2 =	vld [tilespmem:s10+$0xA0];
	[tilespmem:s10+$0x40] =	vst v1;
	v1 =	vadd.s32 v0, v6  }
0x48: {  	v6 =	vadd.s32 v0, v7;
	[tilespmem:s10+$0x50] =	vst v1;
	v1 =	vld [tilespmem:s10+$0xB0]  }
0x49: {  	[tilespmem:s10+$0x60] =	vst v6;
	v6 =	vadd.s32 v0, v3;
	v3 =	vld [tilespmem:s10+$0xC0]  }
0x4a: {  	[tilespmem:s10+$0x70] =	vst v6;
	v6 =	vadd.s32 v0, v4;
	v4 =	vld [tilespmem:s10+$0xD0]  }
0x4b: {  	s11 =	simm.s32 $0x400;
	[tilespmem:s10+$0x80] =	vst v6;
	v6 =	vadd.s32 v0, v5;
	v5 =	vld [tilespmem:s10+$0xE0]  }
.LBB2_4:
0x4c: {  	s12 =	sshra.s32 s11, $0x2;
	p0 =	sne.s32 s11, $0x3F800;
	[tilespmem:s10+$0x90] =	vst v6;
	v2 =	vadd.s32 v0, v2;
	v6 =	vld [tilespmem:s10+$0xF0]  }
0x4d: {  	v7 =	vld [tilespmem:s12+$0x0];
	[tilespmem:s10+$0xA0] =	vst v2;
	v1 =	vadd.s32 v0, v1  }
0x4e: {  	v2 =	vld [tilespmem:s12+$0x10];
	[tilespmem:s10+$0xB0] =	vst v1;
	v1 =	vadd.s32 v0, v3  }
0x4f: {  	v3 =	vld [tilespmem:s12+$0x20];
	[tilespmem:s10+$0xC0] =	vst v1;
	v1 =	vadd.s32 v0, v4  }
0x50: {  	v4 =	vld [tilespmem:s12+$0x30];
	[tilespmem:s10+$0xD0] =	vst v1;
	v1 =	vadd.s32 v0, v5  }
0x51: {  	v5 =	vld [tilespmem:s12+$0x40];
	[tilespmem:s10+$0xE0] =	vst v1;
	v1 =	vadd.s32 v0, v6  }
0x52: {  	v6 =	vadd.s32 v0, v7;
	v7 =	vld [tilespmem:s12+$0x50];
	[tilespmem:s10+$0xF0] =	vst v1;
	s10 =	smov.u32 s12  }
0x53: {  	[tilespmem:s10+$0x0] =	vst v6;
	v1 =	vadd.s32 v0, v2;
	v6 =	vld [tilespmem:s10+$0x60]  }
0x54: {  	[tilespmem:s10+$0x10] =	vst v1;
	v1 =	vadd.s32 v0, v3;
	v3 =	vld [tilespmem:s10+$0x70]  }
0x55: {  	[tilespmem:s10+$0x20] =	vst v1;
	v1 =	vadd.s32 v0, v4;
	v4 =	vld [tilespmem:s10+$0x80]  }
0x56: {  	[tilespmem:s10+$0x30] =	vst v1;
	v1 =	vadd.s32 v0, v5;
	v5 =	vld [tilespmem:s10+$0x90]  }
.Ltmp1:
0x57: {  	[tilespmem:s10+$0x40] =	vst v1;
	v1 =	vadd.s32 v0, v7;
	v2 =	vld [tilespmem:s10+$0xA0];
	(pc) =	sbr.rel @p0 .LBB2_4-.Ltmp1, $4  }
0x58: {  	[tilespmem:s10+$0x50] =	vst v1;
	v6 =	vadd.s32 v0, v6;
	v1 =	vld [tilespmem:s10+$0xB0]  }
0x59: {  	[tilespmem:s10+$0x60] =	vst v6;
	v6 =	vadd.s32 v0, v3;
	v3 =	vld [tilespmem:s10+$0xC0]  }
0x5a: {  	[tilespmem:s10+$0x70] =	vst v6;
	v6 =	vadd.s32 v0, v4;
	v4 =	vld [tilespmem:s10+$0xD0]  }
0x5b: {  	s11 =	sadd.s32 $0x400, s11;
	[tilespmem:s10+$0x80] =	vst v6;
	v6 =	vadd.s32 v0, v5;
	v5 =	vld [tilespmem:s10+$0xE0]  }
0x5c: {  	[tilespmem:s10+$0x90] =	vst v6;
	v2 =	vadd.s32 v0, v2;
	v63 =	vld [tilespmem:s10+$0xF0]  }
0x5d: {  	[tilespmem:s10+$0xA0] =	vst v2;
	v1 =	vadd.s32 v0, v1  }
0x5e: {  	[tilespmem:s10+$0xB0] =	vst v1;
	v1 =	vadd.s32 v0, v3  }
0x5f: {  	[tilespmem:s10+$0xC0] =	vst v1;
	v1 =	vadd.s32 v0, v4  }
0x60: {  	s9 =	sadd.s32 $0x1, s9;
	[tilespmem:s10+$0xD0] =	vst v1;
	v1 =	vadd.s32 v0, v5  }
0x61: {  	p0 =	sne.s32 s9, s7;
	[tilespmem:s10+$0xE0] =	vst v1;
	v1 =	vadd.s32 v0, v63  }
.Ltmp2:
0x62: {  	[tilespmem:s10+$0xF0] =	vst v1;
	(pc) =	sbr.rel @p0 .LBB2_1-.Ltmp2, $4  }
0x63: {  	[hbm4b:s6+s3] =	stream.linear.scatter [tilespmem:s3], [sflag:$0x1], $0xFF00, $0x38;
	[tilespmem:$0xFF00] =	vst v63  }
0x64: {  	_ =	swait.ge [sflag:s8], $0xFF00  }
0x65: {  	[sflag:s8] =	ssyncset.done $0x0  }
0x66: {  	[sflag:s8] =	ssyncadd.s32 $0xFFFF0100  }
0x67: {  	_ =	sfence.sel $0x180000  }
0x68: {  	[bflag:$0x0] =	sbarrier.arrive $0xFFFF  }
0x69: {  	p0 =	sne.s32 s1, $0x0;
	_ =	strace $0x90000047  }
0x6a: {  	s0 =	sadd.s32 @!p0 $0x100000, s0;
	[bflag:$0x2] =	sbarrier.arrive $0xFFFF  }
0x6b: {  	[sflag:s0] =	ssyncadd.tile.s32 @!p0 $0x1;
	_ =	shalt  }
.Lfunc_end2:
_tile_overlayer_lowered:
.L_overlay_start_2:
0x6c: {  	(tag) =	ssettag $0x2  }
0x6d: {  	s0 =	rddreg [dreg:$0x0];
	s2 =	stileid.u32  }
0x6e: {  	s1 =	rddreg [dreg:$0x1];
	p0 =	sne.s32 s2, $0x0  }
0x6f: {  	s3 =	rddreg [dreg:$0x2];
	[bflag:$0x3] =	sbarrier.arrive $0xFFFF;
	s2 =	simm.s32 @!p0 $0x1C01  }
0x70: {  	[timem:s3], [sflag:s2] =	dma.local @!p0 [hbm:s0], s1  }
0x71: {  	s0 =	simm.s32 @!p0 $0x1  }
0x72: {  	_ =	swait.ge @!p0 [sflag:s0], s1  }
0x73: {  	s1 =	ssub.s32 @!p0 $0x0, s1;
	[sflag:s0] =	ssyncset.done @!p0 $0x0  }
0x74: {  	[sflag:s0] =	ssyncadd.s32 @!p0 s1  }
0x75: {  	[bflag:$0x3] =	sbarrier.arrive $0xFFFF  }
0x76: {  	_ =	shalt  }

</sc_bundles>
